<compile_context>
chip_gen: v7x
topology: tpu7x:2x2x1
jax: 0.10.2.dev20260603
libtpu: 0.0.44.dev20260713+nightly
codegen_flags: <defaults>
</compile_context>

<pallas_src>
import functools

import jax
import jax.numpy as jnp
from jax import lax
from jax.experimental import pallas as pl
from jax.experimental.pallas import tpu as pltpu
from jax.experimental.pallas import tpu_sc as plsc

N_ROWS = 100000
D = 128
NUM_CORES = 2
NUM_SUBCORES = 16
NW = NUM_CORES * NUM_SUBCORES
SPAN = 3200
CHUNK = 400
NFULL = SPAN // CHUNK
NLAST = (N_ROWS - (NW - 1) * SPAN) // CHUNK

_mesh = plsc.VectorSubcoreMesh(core_axis_name="c", subcore_axis_name="s")


@functools.partial(
    pl.kernel,
    mesh=_mesh,
    out_type=jax.ShapeDtypeStruct((N_ROWS, D), jnp.float32),
    scratch_types=[
        pltpu.VMEM((SPAN,), jnp.int32),
        pltpu.VMEM((2, CHUNK, D), jnp.float32),
        pltpu.SemaphoreType.DMA((2,)),
        pltpu.SemaphoreType.DMA((2,)),
    ],
)
def _gather(table_hbm, idx_hbm, out_hbm, idx_v, rows_v, gsem, wsem):
    wid = lax.axis_index("s") * NUM_CORES + lax.axis_index("c")
    base = wid * SPAN
    nch = jnp.where(wid == NW - 1, NLAST, NFULL)

    @pl.when(wid < NW - 1)
    def _():
        pltpu.sync_copy(idx_hbm.at[0, pl.ds(base, SPAN)], idx_v)

    @pl.when(wid == NW - 1)
    def _():
        pltpu.sync_copy(idx_hbm.at[0, pl.ds(base, 896)],
                        idx_v.at[pl.ds(0, 896)])

    def start_gather(j):
        b = lax.rem(j, 2)
        pltpu.async_copy(
            table_hbm.at[idx_v.at[pl.ds(j * CHUNK, CHUNK)]],
            rows_v.at[b], gsem.at[b])

    def wait_write(j):
        b = lax.rem(j, 2)
        pltpu.make_async_copy(
            rows_v.at[b], out_hbm.at[pl.ds(base + j * CHUNK, CHUNK)],
            wsem.at[b]).wait()

    start_gather(0)

    def step(j, carry):
        b = lax.rem(j, 2)

        @pl.when(j + 1 < nch)
        def _():
            @pl.when(j >= 1)
            def _():
                wait_write(j - 1)
            start_gather(j + 1)

        pltpu.make_async_copy(
            table_hbm.at[idx_v.at[pl.ds(j * CHUNK, CHUNK)]],
            rows_v.at[b], gsem.at[b]).wait()
        pltpu.async_copy(
            rows_v.at[b], out_hbm.at[pl.ds(base + j * CHUNK, CHUNK)],
            wsem.at[b])
        return carry

    lax.fori_loop(0, nch, step, 0)
    wait_write(nch - 2)
    wait_write(nch - 1)


def kernel(g, h, r, norm, W):
    idx = h.reshape(1, -1).astype(jnp.int32)
    return _gather(W, idx)

# --- scband reference (transcript-rebuilt; emitter-appended) ---
"""Pipeline reference for scband-embedding-layer-13331578487267 (READ-ONLY COPY).

The authoritative reference and input builder live on the scoring server;
editing this copy changes nothing except your own understanding.
"""

import jax, jax.numpy as jnp
import numpy as np

NUM_NODES = 100000
H_DIM = 128

def setup_inputs(seed: int = 0) -> dict:
    key = jax.random.key(seed)
    k1, k2, k3, k4 = jax.random.split(key, 4)
    g = jnp.zeros((1,), dtype=jnp.float32)
    h = jax.random.randint(k1, (NUM_NODES, 1), 0, NUM_NODES, dtype=jnp.int64)
    r = jax.random.randint(k2, (NUM_NODES,), 0, 16, dtype=jnp.int64)
    norm = jax.random.uniform(k3, (NUM_NODES, 1), dtype=jnp.float32)
    # Embedding table parameter (nn.Embedding weight), normal init like torch default
    W = jax.random.normal(k4, (NUM_NODES, H_DIM), dtype=jnp.float32)
    return {"g": g, "h": h, "r": r, "norm": norm, "W": W}

def reference(g, h, r, norm, W):
    # forward: self.embedding(h.squeeze())
    idx = jnp.squeeze(h)
    return jnp.take(W, idx, axis=0)

if __name__ == "__main__":
    import jax
    _d = setup_inputs()
    print(jax.jit(kernel)(*tuple(_d.values())))

</pallas_src>

<mosaic_0001>
#map = affine_map<(d0, d1) -> (0, 0)>
module attributes {stable_mosaic.version = 14 : i64} {
  func.func @_gather(%arg0: i32, %arg1: i32, %arg2: memref<100000x128xf32, #tpu.memory_space<hbm>>, %arg3: memref<1x100000xi32, #tpu.memory_space<hbm>>, %arg4: memref<100000x128xf32, #tpu.memory_space<hbm>>, %arg5: memref<3200xi32, #tpu.memory_space<vmem>>, %arg6: memref<2x400x128xf32, #tpu.memory_space<vmem>>, %arg7: memref<2x!tpu.dma_semaphore, #tpu.memory_space<semaphore_mem>>, %arg8: memref<2x!tpu.dma_semaphore, #tpu.memory_space<semaphore_mem>>) attributes {dimension_semantics = [#tpu.dimension_semantics<core_parallel>, #tpu.dimension_semantics<subcore_parallel>], iteration_bounds = array<i64: 2, 16>, scalar_prefetch = 0 : i64, scratch_operands = 4 : i64, tpu.core_type = #tpu.core_type<sc_vector_subcore>, window_params = [{transform_indices = #map}, {transform_indices = #map}, {transform_indices = #map}]} {
    %mul3A = arith.constant 2 : i32
    %mul3A_0 = arith.muli %arg1, %mul3A : i32
    %add3A = arith.addi %mul3A_0, %arg0 : i32
    %mul3A_1 = arith.constant 3200 : i32
    %mul3A_2 = arith.muli %add3A, %mul3A_1 : i32
    %eq3A = arith.constant 31 : i32
    %eq3A_3 = arith.cmpi eq, %add3A, %eq3A : i32
    %jit3A = arith.constant 2 : i32
    %jit3A_4 = arith.constant 8 : i32
    %select_n3A = arith.select %eq3A_3, %jit3A, %jit3A_4 : i32
    %lt3A = arith.constant 31 : i32
    %lt3A_5 = arith.cmpi slt, %add3A, %lt3A : i32
    %convert_element_type3A = arith.extui %lt3A_5 : i1 to i32
    %cond3A = arith.constant 0 : i32
    %cond3A_6 = arith.cmpi ne, %convert_element_type3A, %cond3A : i32
    scf.if %cond3A_6 {
      %run_scoped3A = arith.constant 0 : i32
      "tpu.region"() ({
        %run_scoped3A_73 = tpu.sem_alloc : memref<!tpu.dma_semaphore, #tpu.memory_space<semaphore_mem>>
        %dma_start3A_74 = tpu.memref_slice %arg3[%run_scoped3A, %mul3A_2] : memref<1x100000xi32, #tpu.memory_space<hbm>> -> memref<1x3200xi32, #tpu.memory_space<hbm>>
        %dma_start3A_75 = tpu.memref_squeeze %dma_start3A_74 : memref<1x3200xi32, #tpu.memory_space<hbm>> -> memref<3200xi32, #tpu.memory_space<hbm>>
        %dma_start3A_76 = tpu.memref_slice %arg3[%run_scoped3A, %mul3A_2] : memref<1x100000xi32, #tpu.memory_space<hbm>> -> memref<1x3200xi32, #tpu.memory_space<hbm>>
        %dma_start3A_77 = tpu.memref_squeeze %dma_start3A_76 : memref<1x3200xi32, #tpu.memory_space<hbm>> -> memref<3200xi32, #tpu.memory_space<hbm>>
        tpu.enqueue_dma source(%dma_start3A_77 : memref<3200xi32, #tpu.memory_space<hbm>>) target(%arg5 : memref<3200xi32, #tpu.memory_space<vmem>>) target_semaphore(%run_scoped3A_73 : memref<!tpu.dma_semaphore, #tpu.memory_space<semaphore_mem>>)
        %dma_wait3A_78 = tpu.memref_slice %arg3[%run_scoped3A, %mul3A_2] : memref<1x100000xi32, #tpu.memory_space<hbm>> -> memref<1x3200xi32, #tpu.memory_space<hbm>>
        %dma_wait3A_79 = tpu.memref_squeeze %dma_wait3A_78 : memref<1x3200xi32, #tpu.memory_space<hbm>> -> memref<3200xi32, #tpu.memory_space<hbm>>
        %dma_wait3A_80 = tpu.memref_slice %arg3[%run_scoped3A, %mul3A_2] : memref<1x100000xi32, #tpu.memory_space<hbm>> -> memref<1x3200xi32, #tpu.memory_space<hbm>>
        %dma_wait3A_81 = tpu.memref_squeeze %dma_wait3A_80 : memref<1x3200xi32, #tpu.memory_space<hbm>> -> memref<3200xi32, #tpu.memory_space<hbm>>
        tpu.wait_dma2 semaphore(%run_scoped3A_73 : memref<!tpu.dma_semaphore, #tpu.memory_space<semaphore_mem>>) src(%dma_wait3A_81 : memref<3200xi32, #tpu.memory_space<hbm>>) dst(%arg5 : memref<3200xi32, #tpu.memory_space<vmem>>)
        tpu.yield
      }) : () -> ()
    } else {
    }
    %eq3A_7 = arith.constant 31 : i32
    %eq3A_8 = arith.cmpi eq, %add3A, %eq3A_7 : i32
    %convert_element_type3A_9 = arith.extui %eq3A_8 : i1 to i32
    %cond3A_10 = arith.constant 0 : i32
    %cond3A_11 = arith.cmpi ne, %convert_element_type3A_9, %cond3A_10 : i32
    scf.if %cond3A_11 {
      %run_scoped3A = arith.constant 0 : i32
      "tpu.region"() ({
        %run_scoped3A_73 = tpu.sem_alloc : memref<!tpu.dma_semaphore, #tpu.memory_space<semaphore_mem>>
        %dma_start3A_74 = arith.constant 0 : i32
        %dma_start3A_75 = tpu.memref_slice %arg5[%dma_start3A_74] : memref<3200xi32, #tpu.memory_space<vmem>> -> memref<896xi32, #tpu.memory_space<vmem>>
        %dma_start3A_76 = tpu.memref_slice %arg3[%run_scoped3A, %mul3A_2] : memref<1x100000xi32, #tpu.memory_space<hbm>> -> memref<1x896xi32, #tpu.memory_space<hbm>>
        %dma_start3A_77 = tpu.memref_squeeze %dma_start3A_76 : memref<1x896xi32, #tpu.memory_space<hbm>> -> memref<896xi32, #tpu.memory_space<hbm>>
        %dma_start3A_78 = arith.constant 0 : i32
        %dma_start3A_79 = tpu.memref_slice %arg5[%dma_start3A_78] : memref<3200xi32, #tpu.memory_space<vmem>> -> memref<896xi32, #tpu.memory_space<vmem>>
        %dma_start3A_80 = tpu.memref_slice %arg3[%run_scoped3A, %mul3A_2] : memref<1x100000xi32, #tpu.memory_space<hbm>> -> memref<1x896xi32, #tpu.memory_space<hbm>>
        %dma_start3A_81 = tpu.memref_squeeze %dma_start3A_80 : memref<1x896xi32, #tpu.memory_space<hbm>> -> memref<896xi32, #tpu.memory_space<hbm>>
        tpu.enqueue_dma source(%dma_start3A_81 : memref<896xi32, #tpu.memory_space<hbm>>) target(%dma_start3A_79 : memref<896xi32, #tpu.memory_space<vmem>>) target_semaphore(%run_scoped3A_73 : memref<!tpu.dma_semaphore, #tpu.memory_space<semaphore_mem>>)
        %dma_wait3A_82 = arith.constant 0 : i32
        %dma_wait3A_83 = tpu.memref_slice %arg5[%dma_wait3A_82] : memref<3200xi32, #tpu.memory_space<vmem>> -> memref<896xi32, #tpu.memory_space<vmem>>
        %dma_wait3A_84 = tpu.memref_slice %arg3[%run_scoped3A, %mul3A_2] : memref<1x100000xi32, #tpu.memory_space<hbm>> -> memref<1x896xi32, #tpu.memory_space<hbm>>
        %dma_wait3A_85 = tpu.memref_squeeze %dma_wait3A_84 : memref<1x896xi32, #tpu.memory_space<hbm>> -> memref<896xi32, #tpu.memory_space<hbm>>
        %dma_wait3A_86 = arith.constant 0 : i32
        %dma_wait3A_87 = tpu.memref_slice %arg5[%dma_wait3A_86] : memref<3200xi32, #tpu.memory_space<vmem>> -> memref<896xi32, #tpu.memory_space<vmem>>
        %dma_wait3A_88 = tpu.memref_slice %arg3[%run_scoped3A, %mul3A_2] : memref<1x100000xi32, #tpu.memory_space<hbm>> -> memref<1x896xi32, #tpu.memory_space<hbm>>
        %dma_wait3A_89 = tpu.memref_squeeze %dma_wait3A_88 : memref<1x896xi32, #tpu.memory_space<hbm>> -> memref<896xi32, #tpu.memory_space<hbm>>
        tpu.wait_dma2 semaphore(%run_scoped3A_73 : memref<!tpu.dma_semaphore, #tpu.memory_space<semaphore_mem>>) src(%dma_wait3A_89 : memref<896xi32, #tpu.memory_space<hbm>>) dst(%dma_wait3A_87 : memref<896xi32, #tpu.memory_space<vmem>>)
        tpu.yield
      }) : () -> ()
    } else {
    }
    %rem3A = arith.constant 0 : i32
    %rem3A_12 = arith.constant 2 : i32
    %rem3A_13 = arith.remsi %rem3A, %rem3A_12 : i32
    %dma_start3A = arith.constant 0 : i32
    %dma_start3A_14 = arith.constant 0 : i32
    %dma_start3A_15 = tpu.memref_slice %arg6[%rem3A_13, %dma_start3A, %dma_start3A_14] : memref<2x400x128xf32, #tpu.memory_space<vmem>> -> memref<1x400x128xf32, #tpu.memory_space<vmem>>
    %dma_start3A_16 = tpu.memref_squeeze %dma_start3A_15 : memref<1x400x128xf32, #tpu.memory_space<vmem>> -> memref<400x128xf32, #tpu.memory_space<vmem>>
    %dma_start3A_17 = arith.constant 0 : i32
    %dma_start3A_18 = tpu.memref_slice %arg5[%dma_start3A_17] : memref<3200xi32, #tpu.memory_space<vmem>> -> memref<400xi32, #tpu.memory_space<vmem>>
    %dma_start3A_19 = arith.constant 0 : i32
    %dma_start3A_20 = arith.constant 0 : i32
    %dma_start3A_21 = tpu.memref_slice %arg2[%dma_start3A_19, %dma_start3A_20] : memref<100000x128xf32, #tpu.memory_space<hbm>> -> memref<100000x128xf32, #tpu.memory_space<hbm>>
    %dma_start3A_22 = tpu.memref_slice %arg7[%rem3A_13] : memref<2x!tpu.dma_semaphore, #tpu.memory_space<semaphore_mem>> -> memref<1x!tpu.dma_semaphore, #tpu.memory_space<semaphore_mem>>
    %dma_start3A_23 = tpu.memref_squeeze %dma_start3A_22 : memref<1x!tpu.dma_semaphore, #tpu.memory_space<semaphore_mem>> -> memref<!tpu.dma_semaphore, #tpu.memory_space<semaphore_mem>>
    tpu.enqueue_indirect_dma source(%dma_start3A_21 : memref<100000x128xf32, #tpu.memory_space<hbm>>) target(%dma_start3A_16 : memref<400x128xf32, #tpu.memory_space<vmem>>) offsets(%dma_start3A_18 : memref<400xi32, #tpu.memory_space<vmem>>) semaphore(%dma_start3A_23 : memref<!tpu.dma_semaphore, #tpu.memory_space<semaphore_mem>>)
    %while3A = arith.constant 0 : i32
    %while3A_24 = arith.constant 0 : i32
    %while3A_25 = arith.subi %select_n3A, %while3A_24 : i32
    %while3A_26 = arith.addi %while3A_24, %while3A_25 : i32
    %while3A_27 = arith.constant 1 : i32
    %while3A_28 = arith.divsi %while3A_25, %while3A_27 : i32
    %while3A_29 = arith.muli %while3A_28, %while3A_27 : i32
    %while3A_30 = arith.addi %while3A_24, %while3A_29 : i32
    %while3A_31 = arith.constant 1 : i32
    scf.for %while3A_73 = %while3A_24 to %while3A_30 step %while3A_31  : i32 {
      %rem3A_74 = arith.constant 2 : i32
      %rem3A_75 = arith.remsi %while3A_73, %rem3A_74 : i32
      %add3A_76 = arith.constant 1 : i32
      %add3A_77 = arith.addi %while3A_73, %add3A_76 : i32
      %lt3A_78 = arith.cmpi slt, %add3A_77, %select_n3A : i32
      %convert_element_type3A_79 = arith.extui %lt3A_78 : i1 to i32
      %cond3A_80 = arith.constant 0 : i32
      %cond3A_81 = arith.cmpi ne, %convert_element_type3A_79, %cond3A_80 : i32
      scf.if %cond3A_81 {
        %ge3A = arith.constant 1 : i32
        %ge3A_111 = arith.cmpi sge, %while3A_73, %ge3A : i32
        %convert_element_type3A_112 = arith.extui %ge3A_111 : i1 to i32
        %cond3A_113 = arith.constant 0 : i32
        %cond3A_114 = arith.cmpi ne, %convert_element_type3A_112, %cond3A_113 : i32
        scf.if %cond3A_114 {
          %sub3A_131 = arith.constant 1 : i32
          %sub3A_132 = arith.subi %while3A_73, %sub3A_131 : i32
          %rem3A_133 = arith.constant 2 : i32
          %rem3A_134 = arith.remsi %sub3A_132, %rem3A_133 : i32
          %mul3A_135 = arith.constant 400 : i32
          %mul3A_136 = arith.muli %sub3A_132, %mul3A_135 : i32
          %add3A_137 = arith.addi %mul3A_2, %mul3A_136 : i32
          %dma_wait3A_138 = arith.constant 0 : i32
          %dma_wait3A_139 = arith.constant 0 : i32
          %dma_wait3A_140 = tpu.memref_slice %arg6[%rem3A_134, %dma_wait3A_138, %dma_wait3A_139] : memref<2x400x128xf32, #tpu.memory_space<vmem>> -> memref<1x400x128xf32, #tpu.memory_space<vmem>>
          %dma_wait3A_141 = tpu.memref_squeeze %dma_wait3A_140 : memref<1x400x128xf32, #tpu.memory_space<vmem>> -> memref<400x128xf32, #tpu.memory_space<vmem>>
          %dma_wait3A_142 = arith.constant 0 : i32
          %dma_wait3A_143 = tpu.memref_slice %arg4[%add3A_137, %dma_wait3A_142] : memref<100000x128xf32, #tpu.memory_space<hbm>> -> memref<400x128xf32, #tpu.memory_space<hbm>>
          %dma_wait3A_144 = tpu.memref_slice %arg8[%rem3A_134] : memref<2x!tpu.dma_semaphore, #tpu.memory_space<semaphore_mem>> -> memref<1x!tpu.dma_semaphore, #tpu.memory_space<semaphore_mem>>
          %dma_wait3A_145 = tpu.memref_squeeze %dma_wait3A_144 : memref<1x!tpu.dma_semaphore, #tpu.memory_space<semaphore_mem>> -> memref<!tpu.dma_semaphore, #tpu.memory_space<semaphore_mem>>
          %dma_wait3A_146 = arith.constant 0 : i32
          %dma_wait3A_147 = tpu.memref_slice %arg4[%add3A_137, %dma_wait3A_146] : memref<100000x128xf32, #tpu.memory_space<hbm>> -> memref<400x128xf32, #tpu.memory_space<hbm>>
          %dma_wait3A_148 = arith.constant 0 : i32
          %dma_wait3A_149 = arith.constant 0 : i32
          %dma_wait3A_150 = tpu.memref_slice %arg6[%rem3A_134, %dma_wait3A_148, %dma_wait3A_149] : memref<2x400x128xf32, #tpu.memory_space<vmem>> -> memref<1x400x128xf32, #tpu.memory_space<vmem>>
          %dma_wait3A_151 = tpu.memref_squeeze %dma_wait3A_150 : memref<1x400x128xf32, #tpu.memory_space<vmem>> -> memref<400x128xf32, #tpu.memory_space<vmem>>
          tpu.wait_dma2 semaphore(%dma_wait3A_145 : memref<!tpu.dma_semaphore, #tpu.memory_space<semaphore_mem>>) src(%dma_wait3A_151 : memref<400x128xf32, #tpu.memory_space<vmem>>) dst(%dma_wait3A_147 : memref<400x128xf32, #tpu.memory_space<hbm>>)
        } else {
        }
        %add3A_115 = arith.constant 1 : i32
        %add3A_116 = arith.addi %while3A_73, %add3A_115 : i32
        %rem3A_117 = arith.constant 2 : i32
        %rem3A_118 = arith.remsi %add3A_116, %rem3A_117 : i32
        %mul3A_119 = arith.constant 400 : i32
        %mul3A_120 = arith.muli %add3A_116, %mul3A_119 : i32
        %dma_start3A_121 = arith.constant 0 : i32
        %dma_start3A_122 = arith.constant 0 : i32
        %dma_start3A_123 = tpu.memref_slice %arg6[%rem3A_118, %dma_start3A_121, %dma_start3A_122] : memref<2x400x128xf32, #tpu.memory_space<vmem>> -> memref<1x400x128xf32, #tpu.memory_space<vmem>>
        %dma_start3A_124 = tpu.memref_squeeze %dma_start3A_123 : memref<1x400x128xf32, #tpu.memory_space<vmem>> -> memref<400x128xf32, #tpu.memory_space<vmem>>
        %dma_start3A_125 = tpu.memref_slice %arg5[%mul3A_120] : memref<3200xi32, #tpu.memory_space<vmem>> -> memref<400xi32, #tpu.memory_space<vmem>>
        %dma_start3A_126 = arith.constant 0 : i32
        %dma_start3A_127 = arith.constant 0 : i32
        %dma_start3A_128 = tpu.memref_slice %arg2[%dma_start3A_126, %dma_start3A_127] : memref<100000x128xf32, #tpu.memory_space<hbm>> -> memref<100000x128xf32, #tpu.memory_space<hbm>>
        %dma_start3A_129 = tpu.memref_slice %arg7[%rem3A_118] : memref<2x!tpu.dma_semaphore, #tpu.memory_space<semaphore_mem>> -> memref<1x!tpu.dma_semaphore, #tpu.memory_space<semaphore_mem>>
        %dma_start3A_130 = tpu.memref_squeeze %dma_start3A_129 : memref<1x!tpu.dma_semaphore, #tpu.memory_space<semaphore_mem>> -> memref<!tpu.dma_semaphore, #tpu.memory_space<semaphore_mem>>
        tpu.enqueue_indirect_dma source(%dma_start3A_128 : memref<100000x128xf32, #tpu.memory_space<hbm>>) target(%dma_start3A_124 : memref<400x128xf32, #tpu.memory_space<vmem>>) offsets(%dma_start3A_125 : memref<400xi32, #tpu.memory_space<vmem>>) semaphore(%dma_start3A_130 : memref<!tpu.dma_semaphore, #tpu.memory_space<semaphore_mem>>)
      } else {
      }
      %mul3A_82 = arith.constant 400 : i32
      %mul3A_83 = arith.muli %while3A_73, %mul3A_82 : i32
      %dma_wait3A_84 = arith.constant 0 : i32
      %dma_wait3A_85 = arith.constant 0 : i32
      %dma_wait3A_86 = tpu.memref_slice %arg6[%rem3A_75, %dma_wait3A_84, %dma_wait3A_85] : memref<2x400x128xf32, #tpu.memory_space<vmem>> -> memref<1x400x128xf32, #tpu.memory_space<vmem>>
      %dma_wait3A_87 = tpu.memref_squeeze %dma_wait3A_86 : memref<1x400x128xf32, #tpu.memory_space<vmem>> -> memref<400x128xf32, #tpu.memory_space<vmem>>
      %dma_wait3A_88 = tpu.memref_slice %arg5[%mul3A_83] : memref<3200xi32, #tpu.memory_space<vmem>> -> memref<400xi32, #tpu.memory_space<vmem>>
      %dma_wait3A_89 = arith.constant 0 : i32
      %dma_wait3A_90 = arith.constant 0 : i32
      %dma_wait3A_91 = tpu.memref_slice %arg2[%dma_wait3A_89, %dma_wait3A_90] : memref<100000x128xf32, #tpu.memory_space<hbm>> -> memref<100000x128xf32, #tpu.memory_space<hbm>>
      %dma_wait3A_92 = tpu.memref_slice %arg7[%rem3A_75] : memref<2x!tpu.dma_semaphore, #tpu.memory_space<semaphore_mem>> -> memref<1x!tpu.dma_semaphore, #tpu.memory_space<semaphore_mem>>
      %dma_wait3A_93 = tpu.memref_squeeze %dma_wait3A_92 : memref<1x!tpu.dma_semaphore, #tpu.memory_space<semaphore_mem>> -> memref<!tpu.dma_semaphore, #tpu.memory_space<semaphore_mem>>
      tpu.wait_indirect_dma semaphore(%dma_wait3A_93 : memref<!tpu.dma_semaphore, #tpu.memory_space<semaphore_mem>>) src(%dma_wait3A_91 : memref<100000x128xf32, #tpu.memory_space<hbm>>) dst(%dma_wait3A_87 : memref<400x128xf32, #tpu.memory_space<vmem>>)
      %mul3A_94 = arith.constant 400 : i32
      %mul3A_95 = arith.muli %while3A_73, %mul3A_94 : i32
      %add3A_96 = arith.addi %mul3A_2, %mul3A_95 : i32
      %dma_start3A_97 = arith.constant 0 : i32
      %dma_start3A_98 = arith.constant 0 : i32
      %dma_start3A_99 = tpu.memref_slice %arg6[%rem3A_75, %dma_start3A_97, %dma_start3A_98] : memref<2x400x128xf32, #tpu.memory_space<vmem>> -> memref<1x400x128xf32, #tpu.memory_space<vmem>>
      %dma_start3A_100 = tpu.memref_squeeze %dma_start3A_99 : memref<1x400x128xf32, #tpu.memory_space<vmem>> -> memref<400x128xf32, #tpu.memory_space<vmem>>
      %dma_start3A_101 = arith.constant 0 : i32
      %dma_start3A_102 = tpu.memref_slice %arg4[%add3A_96, %dma_start3A_101] : memref<100000x128xf32, #tpu.memory_space<hbm>> -> memref<400x128xf32, #tpu.memory_space<hbm>>
      %dma_start3A_103 = tpu.memref_slice %arg8[%rem3A_75] : memref<2x!tpu.dma_semaphore, #tpu.memory_space<semaphore_mem>> -> memref<1x!tpu.dma_semaphore, #tpu.memory_space<semaphore_mem>>
      %dma_start3A_104 = tpu.memref_squeeze %dma_start3A_103 : memref<1x!tpu.dma_semaphore, #tpu.memory_space<semaphore_mem>> -> memref<!tpu.dma_semaphore, #tpu.memory_space<semaphore_mem>>
      %dma_start3A_105 = arith.constant 0 : i32
      %dma_start3A_106 = tpu.memref_slice %arg4[%add3A_96, %dma_start3A_105] : memref<100000x128xf32, #tpu.memory_space<hbm>> -> memref<400x128xf32, #tpu.memory_space<hbm>>
      %dma_start3A_107 = arith.constant 0 : i32
      %dma_start3A_108 = arith.constant 0 : i32
      %dma_start3A_109 = tpu.memref_slice %arg6[%rem3A_75, %dma_start3A_107, %dma_start3A_108] : memref<2x400x128xf32, #tpu.memory_space<vmem>> -> memref<1x400x128xf32, #tpu.memory_space<vmem>>
      %dma_start3A_110 = tpu.memref_squeeze %dma_start3A_109 : memref<1x400x128xf32, #tpu.memory_space<vmem>> -> memref<400x128xf32, #tpu.memory_space<vmem>>
      tpu.enqueue_dma source(%dma_start3A_110 : memref<400x128xf32, #tpu.memory_space<vmem>>) target(%dma_start3A_106 : memref<400x128xf32, #tpu.memory_space<hbm>>) target_semaphore(%dma_start3A_104 : memref<!tpu.dma_semaphore, #tpu.memory_space<semaphore_mem>>)
    }
    %while3A_32 = arith.constant 1 : i32
    scf.for %while3A_73 = %while3A_30 to %while3A_26 step %while3A_32  : i32 {
      %rem3A_74 = arith.constant 2 : i32
      %rem3A_75 = arith.remsi %while3A_73, %rem3A_74 : i32
      %add3A_76 = arith.constant 1 : i32
      %add3A_77 = arith.addi %while3A_73, %add3A_76 : i32
      %lt3A_78 = arith.cmpi slt, %add3A_77, %select_n3A : i32
      %convert_element_type3A_79 = arith.extui %lt3A_78 : i1 to i32
      %cond3A_80 = arith.constant 0 : i32
      %cond3A_81 = arith.cmpi ne, %convert_element_type3A_79, %cond3A_80 : i32
      scf.if %cond3A_81 {
        %ge3A = arith.constant 1 : i32
        %ge3A_111 = arith.cmpi sge, %while3A_73, %ge3A : i32
        %convert_element_type3A_112 = arith.extui %ge3A_111 : i1 to i32
        %cond3A_113 = arith.constant 0 : i32
        %cond3A_114 = arith.cmpi ne, %convert_element_type3A_112, %cond3A_113 : i32
        scf.if %cond3A_114 {
          %sub3A_131 = arith.constant 1 : i32
          %sub3A_132 = arith.subi %while3A_73, %sub3A_131 : i32
          %rem3A_133 = arith.constant 2 : i32
          %rem3A_134 = arith.remsi %sub3A_132, %rem3A_133 : i32
          %mul3A_135 = arith.constant 400 : i32
          %mul3A_136 = arith.muli %sub3A_132, %mul3A_135 : i32
          %add3A_137 = arith.addi %mul3A_2, %mul3A_136 : i32
          %dma_wait3A_138 = arith.constant 0 : i32
          %dma_wait3A_139 = arith.constant 0 : i32
          %dma_wait3A_140 = tpu.memref_slice %arg6[%rem3A_134, %dma_wait3A_138, %dma_wait3A_139] : memref<2x400x128xf32, #tpu.memory_space<vmem>> -> memref<1x400x128xf32, #tpu.memory_space<vmem>>
          %dma_wait3A_141 = tpu.memref_squeeze %dma_wait3A_140 : memref<1x400x128xf32, #tpu.memory_space<vmem>> -> memref<400x128xf32, #tpu.memory_space<vmem>>
          %dma_wait3A_142 = arith.constant 0 : i32
          %dma_wait3A_143 = tpu.memref_slice %arg4[%add3A_137, %dma_wait3A_142] : memref<100000x128xf32, #tpu.memory_space<hbm>> -> memref<400x128xf32, #tpu.memory_space<hbm>>
          %dma_wait3A_144 = tpu.memref_slice %arg8[%rem3A_134] : memref<2x!tpu.dma_semaphore, #tpu.memory_space<semaphore_mem>> -> memref<1x!tpu.dma_semaphore, #tpu.memory_space<semaphore_mem>>
          %dma_wait3A_145 = tpu.memref_squeeze %dma_wait3A_144 : memref<1x!tpu.dma_semaphore, #tpu.memory_space<semaphore_mem>> -> memref<!tpu.dma_semaphore, #tpu.memory_space<semaphore_mem>>
          %dma_wait3A_146 = arith.constant 0 : i32
          %dma_wait3A_147 = tpu.memref_slice %arg4[%add3A_137, %dma_wait3A_146] : memref<100000x128xf32, #tpu.memory_space<hbm>> -> memref<400x128xf32, #tpu.memory_space<hbm>>
          %dma_wait3A_148 = arith.constant 0 : i32
          %dma_wait3A_149 = arith.constant 0 : i32
          %dma_wait3A_150 = tpu.memref_slice %arg6[%rem3A_134, %dma_wait3A_148, %dma_wait3A_149] : memref<2x400x128xf32, #tpu.memory_space<vmem>> -> memref<1x400x128xf32, #tpu.memory_space<vmem>>
          %dma_wait3A_151 = tpu.memref_squeeze %dma_wait3A_150 : memref<1x400x128xf32, #tpu.memory_space<vmem>> -> memref<400x128xf32, #tpu.memory_space<vmem>>
          tpu.wait_dma2 semaphore(%dma_wait3A_145 : memref<!tpu.dma_semaphore, #tpu.memory_space<semaphore_mem>>) src(%dma_wait3A_151 : memref<400x128xf32, #tpu.memory_space<vmem>>) dst(%dma_wait3A_147 : memref<400x128xf32, #tpu.memory_space<hbm>>)
        } else {
        }
        %add3A_115 = arith.constant 1 : i32
        %add3A_116 = arith.addi %while3A_73, %add3A_115 : i32
        %rem3A_117 = arith.constant 2 : i32
        %rem3A_118 = arith.remsi %add3A_116, %rem3A_117 : i32
        %mul3A_119 = arith.constant 400 : i32
        %mul3A_120 = arith.muli %add3A_116, %mul3A_119 : i32
        %dma_start3A_121 = arith.constant 0 : i32
        %dma_start3A_122 = arith.constant 0 : i32
        %dma_start3A_123 = tpu.memref_slice %arg6[%rem3A_118, %dma_start3A_121, %dma_start3A_122] : memref<2x400x128xf32, #tpu.memory_space<vmem>> -> memref<1x400x128xf32, #tpu.memory_space<vmem>>
        %dma_start3A_124 = tpu.memref_squeeze %dma_start3A_123 : memref<1x400x128xf32, #tpu.memory_space<vmem>> -> memref<400x128xf32, #tpu.memory_space<vmem>>
        %dma_start3A_125 = tpu.memref_slice %arg5[%mul3A_120] : memref<3200xi32, #tpu.memory_space<vmem>> -> memref<400xi32, #tpu.memory_space<vmem>>
        %dma_start3A_126 = arith.constant 0 : i32
        %dma_start3A_127 = arith.constant 0 : i32
        %dma_start3A_128 = tpu.memref_slice %arg2[%dma_start3A_126, %dma_start3A_127] : memref<100000x128xf32, #tpu.memory_space<hbm>> -> memref<100000x128xf32, #tpu.memory_space<hbm>>
        %dma_start3A_129 = tpu.memref_slice %arg7[%rem3A_118] : memref<2x!tpu.dma_semaphore, #tpu.memory_space<semaphore_mem>> -> memref<1x!tpu.dma_semaphore, #tpu.memory_space<semaphore_mem>>
        %dma_start3A_130 = tpu.memref_squeeze %dma_start3A_129 : memref<1x!tpu.dma_semaphore, #tpu.memory_space<semaphore_mem>> -> memref<!tpu.dma_semaphore, #tpu.memory_space<semaphore_mem>>
        tpu.enqueue_indirect_dma source(%dma_start3A_128 : memref<100000x128xf32, #tpu.memory_space<hbm>>) target(%dma_start3A_124 : memref<400x128xf32, #tpu.memory_space<vmem>>) offsets(%dma_start3A_125 : memref<400xi32, #tpu.memory_space<vmem>>) semaphore(%dma_start3A_130 : memref<!tpu.dma_semaphore, #tpu.memory_space<semaphore_mem>>)
      } else {
      }
      %mul3A_82 = arith.constant 400 : i32
      %mul3A_83 = arith.muli %while3A_73, %mul3A_82 : i32
      %dma_wait3A_84 = arith.constant 0 : i32
      %dma_wait3A_85 = arith.constant 0 : i32
      %dma_wait3A_86 = tpu.memref_slice %arg6[%rem3A_75, %dma_wait3A_84, %dma_wait3A_85] : memref<2x400x128xf32, #tpu.memory_space<vmem>> -> memref<1x400x128xf32, #tpu.memory_space<vmem>>
      %dma_wait3A_87 = tpu.memref_squeeze %dma_wait3A_86 : memref<1x400x128xf32, #tpu.memory_space<vmem>> -> memref<400x128xf32, #tpu.memory_space<vmem>>
      %dma_wait3A_88 = tpu.memref_slice %arg5[%mul3A_83] : memref<3200xi32, #tpu.memory_space<vmem>> -> memref<400xi32, #tpu.memory_space<vmem>>
      %dma_wait3A_89 = arith.constant 0 : i32
      %dma_wait3A_90 = arith.constant 0 : i32
      %dma_wait3A_91 = tpu.memref_slice %arg2[%dma_wait3A_89, %dma_wait3A_90] : memref<100000x128xf32, #tpu.memory_space<hbm>> -> memref<100000x128xf32, #tpu.memory_space<hbm>>
      %dma_wait3A_92 = tpu.memref_slice %arg7[%rem3A_75] : memref<2x!tpu.dma_semaphore, #tpu.memory_space<semaphore_mem>> -> memref<1x!tpu.dma_semaphore, #tpu.memory_space<semaphore_mem>>
      %dma_wait3A_93 = tpu.memref_squeeze %dma_wait3A_92 : memref<1x!tpu.dma_semaphore, #tpu.memory_space<semaphore_mem>> -> memref<!tpu.dma_semaphore, #tpu.memory_space<semaphore_mem>>
      tpu.wait_indirect_dma semaphore(%dma_wait3A_93 : memref<!tpu.dma_semaphore, #tpu.memory_space<semaphore_mem>>) src(%dma_wait3A_91 : memref<100000x128xf32, #tpu.memory_space<hbm>>) dst(%dma_wait3A_87 : memref<400x128xf32, #tpu.memory_space<vmem>>)
      %mul3A_94 = arith.constant 400 : i32
      %mul3A_95 = arith.muli %while3A_73, %mul3A_94 : i32
      %add3A_96 = arith.addi %mul3A_2, %mul3A_95 : i32
      %dma_start3A_97 = arith.constant 0 : i32
      %dma_start3A_98 = arith.constant 0 : i32
      %dma_start3A_99 = tpu.memref_slice %arg6[%rem3A_75, %dma_start3A_97, %dma_start3A_98] : memref<2x400x128xf32, #tpu.memory_space<vmem>> -> memref<1x400x128xf32, #tpu.memory_space<vmem>>
      %dma_start3A_100 = tpu.memref_squeeze %dma_start3A_99 : memref<1x400x128xf32, #tpu.memory_space<vmem>> -> memref<400x128xf32, #tpu.memory_space<vmem>>
      %dma_start3A_101 = arith.constant 0 : i32
      %dma_start3A_102 = tpu.memref_slice %arg4[%add3A_96, %dma_start3A_101] : memref<100000x128xf32, #tpu.memory_space<hbm>> -> memref<400x128xf32, #tpu.memory_space<hbm>>
      %dma_start3A_103 = tpu.memref_slice %arg8[%rem3A_75] : memref<2x!tpu.dma_semaphore, #tpu.memory_space<semaphore_mem>> -> memref<1x!tpu.dma_semaphore, #tpu.memory_space<semaphore_mem>>
      %dma_start3A_104 = tpu.memref_squeeze %dma_start3A_103 : memref<1x!tpu.dma_semaphore, #tpu.memory_space<semaphore_mem>> -> memref<!tpu.dma_semaphore, #tpu.memory_space<semaphore_mem>>
      %dma_start3A_105 = arith.constant 0 : i32
      %dma_start3A_106 = tpu.memref_slice %arg4[%add3A_96, %dma_start3A_105] : memref<100000x128xf32, #tpu.memory_space<hbm>> -> memref<400x128xf32, #tpu.memory_space<hbm>>
      %dma_start3A_107 = arith.constant 0 : i32
      %dma_start3A_108 = arith.constant 0 : i32
      %dma_start3A_109 = tpu.memref_slice %arg6[%rem3A_75, %dma_start3A_107, %dma_start3A_108] : memref<2x400x128xf32, #tpu.memory_space<vmem>> -> memref<1x400x128xf32, #tpu.memory_space<vmem>>
      %dma_start3A_110 = tpu.memref_squeeze %dma_start3A_109 : memref<1x400x128xf32, #tpu.memory_space<vmem>> -> memref<400x128xf32, #tpu.memory_space<vmem>>
      tpu.enqueue_dma source(%dma_start3A_110 : memref<400x128xf32, #tpu.memory_space<vmem>>) target(%dma_start3A_106 : memref<400x128xf32, #tpu.memory_space<hbm>>) target_semaphore(%dma_start3A_104 : memref<!tpu.dma_semaphore, #tpu.memory_space<semaphore_mem>>)
    }
    %sub3A = arith.constant 2 : i32
    %sub3A_33 = arith.subi %select_n3A, %sub3A : i32
    %rem3A_34 = arith.constant 2 : i32
    %rem3A_35 = arith.remsi %sub3A_33, %rem3A_34 : i32
    %mul3A_36 = arith.constant 400 : i32
    %mul3A_37 = arith.muli %sub3A_33, %mul3A_36 : i32
    %add3A_38 = arith.addi %mul3A_2, %mul3A_37 : i32
    %dma_wait3A = arith.constant 0 : i32
    %dma_wait3A_39 = arith.constant 0 : i32
    %dma_wait3A_40 = tpu.memref_slice %arg6[%rem3A_35, %dma_wait3A, %dma_wait3A_39] : memref<2x400x128xf32, #tpu.memory_space<vmem>> -> memref<1x400x128xf32, #tpu.memory_space<vmem>>
    %dma_wait3A_41 = tpu.memref_squeeze %dma_wait3A_40 : memref<1x400x128xf32, #tpu.memory_space<vmem>> -> memref<400x128xf32, #tpu.memory_space<vmem>>
    %dma_wait3A_42 = arith.constant 0 : i32
    %dma_wait3A_43 = tpu.memref_slice %arg4[%add3A_38, %dma_wait3A_42] : memref<100000x128xf32, #tpu.memory_space<hbm>> -> memref<400x128xf32, #tpu.memory_space<hbm>>
    %dma_wait3A_44 = tpu.memref_slice %arg8[%rem3A_35] : memref<2x!tpu.dma_semaphore, #tpu.memory_space<semaphore_mem>> -> memref<1x!tpu.dma_semaphore, #tpu.memory_space<semaphore_mem>>
    %dma_wait3A_45 = tpu.memref_squeeze %dma_wait3A_44 : memref<1x!tpu.dma_semaphore, #tpu.memory_space<semaphore_mem>> -> memref<!tpu.dma_semaphore, #tpu.memory_space<semaphore_mem>>
    %dma_wait3A_46 = arith.constant 0 : i32
    %dma_wait3A_47 = tpu.memref_slice %arg4[%add3A_38, %dma_wait3A_46] : memref<100000x128xf32, #tpu.memory_space<hbm>> -> memref<400x128xf32, #tpu.memory_space<hbm>>
    %dma_wait3A_48 = arith.constant 0 : i32
    %dma_wait3A_49 = arith.constant 0 : i32
    %dma_wait3A_50 = tpu.memref_slice %arg6[%rem3A_35, %dma_wait3A_48, %dma_wait3A_49] : memref<2x400x128xf32, #tpu.memory_space<vmem>> -> memref<1x400x128xf32, #tpu.memory_space<vmem>>
    %dma_wait3A_51 = tpu.memref_squeeze %dma_wait3A_50 : memref<1x400x128xf32, #tpu.memory_space<vmem>> -> memref<400x128xf32, #tpu.memory_space<vmem>>
    tpu.wait_dma2 semaphore(%dma_wait3A_45 : memref<!tpu.dma_semaphore, #tpu.memory_space<semaphore_mem>>) src(%dma_wait3A_51 : memref<400x128xf32, #tpu.memory_space<vmem>>) dst(%dma_wait3A_47 : memref<400x128xf32, #tpu.memory_space<hbm>>)
    %sub3A_52 = arith.constant 1 : i32
    %sub3A_53 = arith.subi %select_n3A, %sub3A_52 : i32
    %rem3A_54 = arith.constant 2 : i32
    %rem3A_55 = arith.remsi %sub3A_53, %rem3A_54 : i32
    %mul3A_56 = arith.constant 400 : i32
    %mul3A_57 = arith.muli %sub3A_53, %mul3A_56 : i32
    %add3A_58 = arith.addi %mul3A_2, %mul3A_57 : i32
    %dma_wait3A_59 = arith.constant 0 : i32
    %dma_wait3A_60 = arith.constant 0 : i32
    %dma_wait3A_61 = tpu.memref_slice %arg6[%rem3A_55, %dma_wait3A_59, %dma_wait3A_60] : memref<2x400x128xf32, #tpu.memory_space<vmem>> -> memref<1x400x128xf32, #tpu.memory_space<vmem>>
    %dma_wait3A_62 = tpu.memref_squeeze %dma_wait3A_61 : memref<1x400x128xf32, #tpu.memory_space<vmem>> -> memref<400x128xf32, #tpu.memory_space<vmem>>
    %dma_wait3A_63 = arith.constant 0 : i32
    %dma_wait3A_64 = tpu.memref_slice %arg4[%add3A_58, %dma_wait3A_63] : memref<100000x128xf32, #tpu.memory_space<hbm>> -> memref<400x128xf32, #tpu.memory_space<hbm>>
    %dma_wait3A_65 = tpu.memref_slice %arg8[%rem3A_55] : memref<2x!tpu.dma_semaphore, #tpu.memory_space<semaphore_mem>> -> memref<1x!tpu.dma_semaphore, #tpu.memory_space<semaphore_mem>>
    %dma_wait3A_66 = tpu.memref_squeeze %dma_wait3A_65 : memref<1x!tpu.dma_semaphore, #tpu.memory_space<semaphore_mem>> -> memref<!tpu.dma_semaphore, #tpu.memory_space<semaphore_mem>>
    %dma_wait3A_67 = arith.constant 0 : i32
    %dma_wait3A_68 = tpu.memref_slice %arg4[%add3A_58, %dma_wait3A_67] : memref<100000x128xf32, #tpu.memory_space<hbm>> -> memref<400x128xf32, #tpu.memory_space<hbm>>
    %dma_wait3A_69 = arith.constant 0 : i32
    %dma_wait3A_70 = arith.constant 0 : i32
    %dma_wait3A_71 = tpu.memref_slice %arg6[%rem3A_55, %dma_wait3A_69, %dma_wait3A_70] : memref<2x400x128xf32, #tpu.memory_space<vmem>> -> memref<1x400x128xf32, #tpu.memory_space<vmem>>
    %dma_wait3A_72 = tpu.memref_squeeze %dma_wait3A_71 : memref<1x400x128xf32, #tpu.memory_space<vmem>> -> memref<400x128xf32, #tpu.memory_space<vmem>>
    tpu.wait_dma2 semaphore(%dma_wait3A_66 : memref<!tpu.dma_semaphore, #tpu.memory_space<semaphore_mem>>) src(%dma_wait3A_72 : memref<400x128xf32, #tpu.memory_space<vmem>>) dst(%dma_wait3A_68 : memref<400x128xf32, #tpu.memory_space<hbm>>)
    return
  }
}

</mosaic_0001>

<sc_bundles>
// kernel: kernel.3.cloned.1.call-start
scs
__scs_entry_jumppad:
0x0: {  	(pc) =	sbr.rel $0x88, $3  }
0x1: {  	(tag) =	ssettag $0x0;
	lr =	simm.s32 $0x1  }
0x2: {  	[smem:$0x3F9F] =	sst lr;
	_ =	strace $0xD0000000  }
0x3: {  	_ = 	snop  }
0x4: {  	_ = 	snop  }
0x5: {  	_ = 	snop  }
0x6: {  	_ = 	snop  }
0x7: {  	_ = 	snop  }
__scs_overlays_trampoline_lowered:
0x8: {  	[smem:$0x3FAE] =	sst s0  }
0x9: {  	[smem:$0x3FAF] =	sst s1  }
0xa: {  	[smem:$0x3FB0] =	sst s2  }
0xb: {  	[smem:$0x3FB1] =	sst s3  }
0xc: {  	[smem:$0x3FB2] =	sst s4  }
0xd: {  	[smem:$0x3FB3] =	sst s5  }
0xe: {  	[smem:$0x3FB4] =	sst s6  }
0xf: {  	[smem:$0x3FB5] =	sst s7  }
0x10: {  	[smem:$0x3FB6] =	sst s8  }
0x11: {  	[smem:$0x3FB7] =	sst s9;
	s0 =	simm.s32 @!p0 $0x0  }
0x12: {  	s1 =	sld [smem:$0x3F9D];
	s0 =	simm.s32 @p0 $0x1  }
0x13: {  	[smem:$0x3FB8] =	sst s0;
	s0 =	simm.s32 @!p1 $0x0  }
0x14: {  	s2 =	sld [smem:$0x3F9C];
	s0 =	simm.s32 @p1 $0x1  }
0x15: {  	[smem:$0x3FB9] =	sst s0;
	s0 =	simm.s32 @!p2 $0x0  }
0x16: {  	s3 =	sld [smem:$0x3FDB];
	s0 =	simm.s32 @p2 $0x1  }
0x17: {  	s4 =	simm.s32 $0x1BF5;
	[smem:$0x3FBB] =	sst s0  }
0x18: {  	s0 =	sld [smem:$0x3F9E];
	_ =	swait.ge [sflag:s4], $0x0  }
0x19: {  	s7 =	sld [smem:$0x3F9F]  }
0x1a: {  	s8 =	sadd.s32 $0xFFFFE003, lr  }
0x1b: {  	s9 =	sadd.s32 $0xFFFFFEF7, lr;
	s5 =	simm.s32 $0xFFFFFFFF;
	p2 =	slt.u32 s8, $0xFFFFF086  }
0x1c: {  	p1 =	slt.u32 s9, $0xF7A;
	s5 =	simm.s32 @!p2 $0x0  }
0x1d: {  	s5 =	simm.s32 @p1 $0x1;
	p0 =	seq.s32 s7, s2  }
0x1e: {  	s7 =	smul.u32 @!p0 $0xF7A, s2;
	p2 =	seq.s32 @!p0 s5, $0x0  }
0x1f: {  	s9 =	smul.u32 $0xF7A, s1;
	s8 =	simm.s32 @!p0 $0x1BF5;
	p2 =	por !p2, p0  }
0x20: {  	[sflag:s8] =	ssyncset.s32 @!p0 $0xFFFFF086;
	s6 =	sadd.s32 @!p0 s3, s7;
	s7 =	simm.s32 @!p0 $0x108  }
0x21: {  	s3 =	sadd.s32 s3, s9;
	s6 =	sadd.s32 @!p0 $0x88, s6;
	s7 =	simm.s32 @p2 $0x1082  }
0x22: {  	[simem:s7], [sflag:s8] =	dma.local @!p0 [hbm:s6], $0xF7A  }
0x23: {  	s9 =	sor.u32 $0xD0000000, s2;
	s6 =	simm.s32 $0x108;
	_ =	swait.ge @!p0 [sflag:s8], $0x0  }
0x24: {  	s3 =	sadd.s32 $0x88, s3;
	s6 =	simm.s32 @!p1 $0x1082;
	[sflag:s4] =	ssyncset.s32 $0xFFFFF086  }
0x25: {  	[simem:s6], [sflag:s4] =	dma.local [hbm:s3], $0xF7A  }
0x26: {  	[smem:$0x3F9F] =	sst s1;
	(tag) =	ssettag s2;
	_ =	strace s9  }
0x27: {  	s1 =	sld [smem:$0x3FAF]  }
0x28: {  	s2 =	sld [smem:$0x3FB0]  }
0x29: {  	s4 =	sld [smem:$0x3FB2]  }
0x2a: {  	p0 =	seq.s32 s5, $0x0;
	s5 =	sld [smem:$0x3FB3]  }
0x2b: {  	s6 =	sld [smem:$0x3FB4]  }
0x2c: {  	s7 =	sld [smem:$0x3FB5]  }
0x2d: {  	s3 =	simm.s32 $0x108;
	s8 =	sld [smem:$0x3FB6]  }
0x2e: {  	s3 =	simm.s32 @!p0 $0x1082;
	s9 =	sld [smem:$0x3FB7]  }
0x2f: {  	lr =	sadd.s32 s0, s3;
	s0 =	sld [smem:$0x3FAE]  }
0x30: {  	s3 =	sld [smem:$0x3FB1]  }
0x31: {  	[smem:$0x3FBA] =	sst s10  }
0x32: {  	s10 =	sld [smem:$0x3FB8];
	_ =	sdelay $0x3  }
0x33: {  	p0 =	seq.s32 s10, $0x1;
	s10 =	sld [smem:$0x3FBA];
	_ =	sdelay $0x3  }
0x34: {  	[smem:$0x3FBA] =	sst s10  }
0x35: {  	s10 =	sld [smem:$0x3FB9];
	_ =	sdelay $0x3  }
0x36: {  	p1 =	seq.s32 s10, $0x1;
	s10 =	sld [smem:$0x3FBA];
	_ =	sdelay $0x3  }
0x37: {  	[smem:$0x3FBA] =	sst s10  }
0x38: {  	s10 =	sld [smem:$0x3FBB]  }
0x39: {  	_ = 	snop;
	(pc) =	sbr.ind lr, $3  }
0x3a: {  	_ = 	snop  }
0x3b: {  	_ = 	snop  }
0x3c: {  	p2 =	seq.s32 s10, $0x1;
	s10 =	sld [smem:$0x3FBA]  }
0x3d: {  	_ =	shalt  }
0x3e: {  	_ =	shalt  }
0x3f: {  	_ =	shalt  }
0x40: {  	_ =	shalt  }
0x41: {  	_ =	shalt  }
0x42: {  	_ =	shalt  }
0x43: {  	_ =	shalt  }
0x44: {  	_ =	shalt  }
0x45: {  	_ =	shalt  }
0x46: {  	_ =	shalt  }
0x47: {  	_ =	shalt  }
0x48: {  	_ =	shalt  }
0x49: {  	_ =	shalt  }
0x4a: {  	_ =	shalt  }
0x4b: {  	_ =	shalt  }
0x4c: {  	_ =	shalt  }
0x4d: {  	_ =	shalt  }
0x4e: {  	_ =	shalt  }
0x4f: {  	_ =	shalt  }
0x50: {  	_ =	shalt  }
0x51: {  	_ =	shalt  }
0x52: {  	_ =	shalt  }
0x53: {  	_ =	shalt  }
0x54: {  	_ =	shalt  }
0x55: {  	_ =	shalt  }
0x56: {  	_ =	shalt  }
0x57: {  	_ =	shalt  }
0x58: {  	_ =	shalt  }
0x59: {  	_ =	shalt  }
0x5a: {  	_ =	shalt  }
0x5b: {  	_ =	shalt  }
0x5c: {  	_ =	shalt  }
0x5d: {  	_ =	shalt  }
0x5e: {  	_ =	shalt  }
0x5f: {  	_ =	shalt  }
0x60: {  	_ =	shalt  }
0x61: {  	_ =	shalt  }
0x62: {  	_ =	shalt  }
0x63: {  	_ =	shalt  }
0x64: {  	_ =	shalt  }
0x65: {  	_ =	shalt  }
0x66: {  	_ =	shalt  }
0x67: {  	_ =	shalt  }
0x68: {  	_ =	shalt  }
0x69: {  	_ =	shalt  }
0x6a: {  	_ =	shalt  }
0x6b: {  	_ =	shalt  }
0x6c: {  	_ =	shalt  }
0x6d: {  	_ =	shalt  }
0x6e: {  	_ =	shalt  }
0x6f: {  	_ =	shalt  }
0x70: {  	_ =	shalt  }
0x71: {  	_ =	shalt  }
0x72: {  	_ =	shalt  }
0x73: {  	_ =	shalt  }
0x74: {  	_ =	shalt  }
0x75: {  	_ =	shalt  }
0x76: {  	_ =	shalt  }
0x77: {  	_ =	shalt  }
0x78: {  	_ =	shalt  }
0x79: {  	_ =	shalt  }
0x7a: {  	_ =	shalt  }
0x7b: {  	_ =	shalt  }
0x7c: {  	_ =	shalt  }
0x7d: {  	_ =	shalt  }
0x7e: {  	_ =	shalt  }
0x7f: {  	_ =	shalt  }
0x80: {  	_ =	shalt  }
0x81: {  	_ =	shalt  }
0x82: {  	_ =	shalt  }
0x83: {  	_ =	shalt  }
0x84: {  	_ =	shalt  }
0x85: {  	_ =	shalt  }
0x86: {  	_ =	shalt  }
0x87: {  	_ =	shalt  }
.Lfunc_end0:
.L_simem_size_0:
called_computation_lowered:
.L_overlay_start_0:
0x88: {  	s2 =	sld [smem:$0x3FD9]  }
0x89: {  	s3 =	sld [smem:$0x3FFE];
	_ =	sdelay $0x1  }
0x8a: {  	s1 =	srdreg.scid  }
0x8b: {  	s0 =	sand.u32 $0x1, s1  }
0x8c: {  	s18 =	sshll.u32 s0, $0xA;
	s2 =	sadd.s32 s3, s2  }
0x8d: {  	s2 =	sadd.s32 s2, s18  }
0x8e: {  	[smem:$0x3FC6] =	sst s2  }
0x8f: {  	_ = 	snop  }
0x90: {  	s2 =	sld [smem:$0x3FC9]  }
0x91: {  	s19 =	sld [smem:$0x3FC8]  }
0x92: {  	s4 =	sld [smem:$0x3FD0];
	(tm) =	ssettm $0x1  }
0x93: {  	s5 =	sld [smem:$0x3FFB];
	_ =	sdelay $0x3  }
0x94: {  	_ =	strace s5  }
0x95: {  	s5 =	sld [smem:$0x3FFC];
	_ =	sdelay $0x3  }
0x96: {  	_ =	strace s5  }
0x97: {  	s5 =	sld [smem:$0x3FFD];
	_ =	sdelay $0x3  }
0x98: {  	_ =	strace s5  }
0x99: {  	_ =	strace $0x8FFFFFFF  }
0x9a: {  	s20 =	sld [smem:$0x3FDB];
	_ =	sdelay $0x1  }
0x9b: {  	s6 =	simm.s32 $_scs_section_size  }
0x9c: {  	s7 =	simm.s32 $_size__tile_overlayer_lowered;
	s8 =	simm.s32 $_tile_overlayer_lowered  }
0x9d: {  	s23 =	simm.s32 $0x1BFF;
	s22 =	sshll.u32 s8, $0x1;
	s5 =	sadd.s32 s6, s20  }
0x9e: {  	s9 =	simm.s32 $0x0;
	s21 =	sshll.u32 s7, $0x1;
	s7 =	sadd.s32 s22, s5  }
0x9f: {  	[timem:s9], [sflag:s23] =	dma.local [hbm:s7], s21  }
0xa0: {  	_ =	swait.ge [sflag:s23], s21  }
0xa1: {  	s6 =	ssub.s32 $0x0, s21;
	[sflag:s23] =	ssyncset.done $0x0  }
0xa2: {  	[sflag:s23] =	ssyncadd.s32 s6;
	_ =	sdelay $0x1  }
0xa3: {  	s24 =	simm.s32 $0x1B8B  }
0xa4: {  	_ =	swait.ge [sflag:s24], $0x1  }
0xa5: {  	[sflag:s24] =	ssyncset.done $0x0  }
0xa6: {  	s25 =	simm.s32 $0x1B8E;
	[sflag:s24] =	ssyncadd.s32 $0xFFFFFFFF  }
0xa7: {  	s26 =	simm.s32 $execute0_lowered;
	[smem:$0x3FD2] =	sst s25  }
0xa8: {  	s6 =	sshll.u32 s26, $0x1;
	_ =	strace $0x80000046;
	[dreg:$0x1] =	wrdreg $0xFFFFFFFF  }
0xa9: {  	s28 =	simm.s32 $_size_execute0_lowered;
	s5 =	sadd.s32 s5, s6;
	[dreg:$0x0] =	wrdreg $0x0  }
0xaa: {  	s6 =	sshll.u32 s28, $0x1;
	[dreg:$0x2] =	wrdreg s5  }
0xab: {  	[dreg:$0x3] =	wrdreg s6  }
0xac: {  	[dreg:$0x4] =	wrdreg $0xC0  }
0xad: {  	_ =	task [dreg:s9], $0x5FFFF  }
0xae: {  	[dreg:$0x1] =	wrdreg $0xFFFFFFFF  }
0xaf: {  	[dreg:$0x0] =	wrdreg $0x60  }
0xb0: {  	[dreg:$0x2] =	wrdreg s19  }
0xb1: {  	[dreg:$0x3] =	wrdreg s2  }
0xb2: {  	[dreg:$0x4] =	wrdreg s4  }
0xb3: {  	[dreg:$0x5] =	wrdreg $0x9  }
0xb4: {  	_ =	task.clear_ibuf [dreg:s9], $0x6FFFF;
	_ =	strace $0x90000046  }
0xb5: {  	s29 =	simm.s32 $0x9;
	_ =	strace $0x80000048  }
0xb6: {  	_ =	swait.ge [sflag:s29], $0x1  }
0xb7: {  	[sflag:s29] =	ssyncadd.s32 $0xFFFFFFFF  }
0xb8: {  	_ =	strace $0x90000048  }
0xb9: {  	_ =	sfence  }
0xba: {  	s30 =	sld [smem:$0x0];
	_ =	sdelay $0x2  }
0xbb: {  	s31 =	sshll.u32 s1, $0xD;
	s1 =	sshrl.u32 s1, $0x2  }
0xbc: {  	s3 =	sand.u32 $0x4000, s31;
	s1 =	sadd.s32 s1, s30  }
0xbd: {  	s0 =	sor.u32 s3, s0;
	s1 =	sshll.u32 s1, $0x11  }
0xbe: {  	s0 =	sor.u32 s1, s0  }
0xbf: {  	s0 =	sadd.s32 $0x8F2B, s0  }
0xc0: {  	[sflag:s0] =	ssyncadd.remote.s32 $0x1  }
0xc1: {  	_ =	sfence.sel $0xFFFF  }
0xc2: {  	[dreg:$0x0] =	wrdreg $0xFFFFFFFF;
	(pc) =	sbr.abs _section_cstart, $3  }
0xc3: {  	[dreg:$0x1] =	wrdreg $0xFFFFFFFF  }
0xc4: {  	_ =	task.clear_ibuf [dreg:s9], $0x2FFFF;
	_ =	strace $0x9FFFFFFF  }
0xc5: {  	(tm) =	ssettm $0x7FFFFFFF  }
tec
execute0_lowered:
.L_overlay_start_1:
0x0: {  	(tag) =	ssettag $0x1  }
0x1: {  	s1 =	rddreg [dreg:$0x0]  }
0x2: {  	s6 =	rddreg [dreg:$0x1]  }
0x3: {  	s8 =	rddreg [dreg:$0x2]  }
0x4: {  	s0 =	rddreg [dreg:$0x3]  }
0x5: {  	s4 =	srdreg.scid;
	s2 =	stileid.u32  }
0x6: {  	s3 =	simm.s32 $0x0;
	s13 =	simm.s32 $0x3;
	s14 =	simm.s32 $0x4  }
0x7: {  	s15 =	simm.s32 $0x0;
	s5 =	sand.u32 $0x1, s4;
	s28 =	sshll.u32 s2, $0x1  }
0x8: {  	[smem:$0x7FF] =	sst s3;
	s4 =	simm.s32 $0x2;
	s12 =	smul.u32 $0x19000, s2  }
0x9: {  	s7 =	ssub.s32 $0x2, s5;
	s9 =	sor.u32 s5, s28;
	s29 =	smul.u32 $0xC800, s5  }
0xa: {  	_ =	strace $0x80000047;
	s10 =	sshrl.u32 s7, $0x1;
	s11 =	smul.u32 $0xC80, s9  }
0xb: {  	p0 =	seq.s32 s9, $0x1F;
	s9 =	smul.u32 $0xC800, s9;
	s31 =	sadd.s32 s12, s8  }
0xc: {  	s12 =	simm.s32 $0xD480;
	s7 =	ssub.s32 s7, s10;
	s4 =	simm.s32 @!p0 $0x8  }
0xd: {  	s10 =	sadd.s32 s29, s31;
	s30 =	sshrl.u32 s11, $0x3;
	s7 =	smax.u32 s7, $0x1  }
0xe: {  	s8 =	sadd.s32 s8, s9;
	s9 =	sadd.s32 $0x1900, s10;
	s10 =	simm.s32 $0x190  }
0xf: {  	s11 =	simm.s32 $0xC80;
	s5 =	sadd.s32 s6, s30;
	s6 =	sadd.s32 $0x3070, s6  }
.LBB2_1:
0x10: {  	s16 =	simm.s32 @p0 $0x0  }
0x11: {  	[tilespmem:s16], [sflag:$0x5] =	stream.linear.gather @p0 [hbm4b:s6+s16], $0x380, $0x38;
	[tilespmem:$0x19C80] =	vst v63  }
0x12: {  	s16 =	simm.s32 @p0 $0x5  }
0x13: {  	_ =	swait.ge @p0 [sflag:s16], $0x380  }
0x14: {  	[sflag:s16] =	ssyncset.done @p0 $0x0  }
0x15: {  	[sflag:s16] =	ssyncadd.s32 @p0 $0xFFFFFC80;
	s16 =	simm.s32 @!p0 $0x0  }
0x16: {  	[tilespmem:s16], [sflag:$0x5] =	stream.linear.gather @!p0 [hbm4b:s5+s16], $0xC80, $0x38;
	[tilespmem:$0x19C80] =	vst v63  }
0x17: {  	s16 =	simm.s32 @!p0 $0x5  }
0x18: {  	_ =	swait.ge @!p0 [sflag:s16], $0xC80  }
0x19: {  	[sflag:s16] =	ssyncset.done @!p0 $0x0  }
0x1a: {  	[sflag:s16] =	ssyncadd.s32 @!p0 $0xFFFFF380  }
0x1b: {  	[tilespmem:s11], [sflag:$0x1] =	stream.indirect.gather [hbm4b:s1+s10], $0x80, s3, s10, $0xb8;
	[tilespmem:$0x19C80] =	vst v63  }
0x1c: {  	s17 =	simm.s32 $0x1  }
0x1d: {  	[tilespmem:s12], [sflag:$0x2] =	stream.indirect.gather [hbm4b:s1+s10], $0x80, s10, s10, $0xb8;
	[tilespmem:$0x19C80] =	vst v63  }
0x1e: {  	_ =	swait.ge [sflag:s17], $0xC800  }
0x1f: {  	p1 =	sle.u32 s4, $0x2;
	s16 =	simm.s32 $0x2;
	[sflag:s17] =	ssyncset.done $0x0  }
0x20: {  	s19 =	sand.u32 @!p1 $0x1, s16;
	[sflag:s17] =	ssyncadd.s32 $0xFFFF3800;
	s17 =	sand.u32 $0x1, s17  }
0x21: {  	[hbm4b:s8+s3] =	stream.linear.scatter [tilespmem:s11], [sflag:$0x3], $0xC800, $0x38;
	[tilespmem:$0x19C80] =	vst v63  }
0x22: {  	s20 =	smul.u32 @!p1 $0x32000, s19;
	s18 =	sxor.u32 @!p1 $0x1, s17  }
0x23: {  	s21 =	sadd.s32 @!p1 $0x3, s18  }
0x24: {  	s20 =	sshrl.u32 @!p1 s20, $0x2;
	_ =	swait.ge @!p1 [sflag:s21], $0xC800  }
0x25: {  	s19 =	sadd.s32 @!p1 $0x1, s19;
	s20 =	sadd.s32 @!p1 $0xC80, s20;
	[sflag:s21] =	ssyncset.done @!p1 $0x0  }
0x26: {  	s18 =	simm.s32 $0x320;
	[sflag:s21] =	ssyncadd.s32 @!p1 $0xFFFF3800;
	s21 =	simm.s32 @!p1 $0x190  }
0x27: {  	[tilespmem:s20], [sflag:s19] =	stream.indirect.gather @!p1 [hbm4b:s1+s21], $0x80, s18, s21, $0xb8;
	[tilespmem:$0x19C80] =	vst v63  }
0x28: {  	p1 =	sne.s32 s4, $0x2  }
.Ltmp0:
0x29: {  	_ = 	snop;
	(pc) =	sbr.rel @!p1 .LBB2_3-.Ltmp0, $3  }
0x2a: {  	_ = 	snop  }
0x2b: {  	s22 =	smul.u32 $0x32000, s17;
	_ =	sdelay $0x1  }
0x2c: {  	s20 =	sadd.s32 $0x1, s17;
	s21 =	sshrl.u32 s22, $0x2;
	s19 =	smov.u32 s9  }
.LBB2_2:
0x2d: {  	s22 =	sadd.s32 $0x3, s17;
	s21 =	sadd.s32 $0xC80, s21  }
0x2e: {  	s18 =	sadd.s32 $0x190, s18;
	s17 =	sand.u32 $0x1, s16;
	s16 =	sadd.s32 $0x1, s16  }
0x2f: {  	_ =	swait.ge [sflag:s20], $0xC800;
	p1 =	sge.u32 s16, s4  }
0x30: {  	s23 =	sadd.s32 $0x1, s17;
	p2 =	sne.s32 s4, s16;
	[sflag:s20] =	ssyncset.done $0x0  }
0x31: {  	s24 =	sxor.u32 @!p1 $0x1, s17;
	s25 =	sand.u32 @!p1 $0x1, s16;
	[sflag:s20] =	ssyncadd.s32 $0xFFFF3800  }
0x32: {  	s20 =	sadd.s32 @!p1 $0x3, s24;
	s24 =	smul.u32 @!p1 $0x32000, s25;
	s25 =	sadd.s32 @!p1 $0x1, s25  }
0x33: {  	[hbm4b:s19+s3] =	stream.linear.scatter [tilespmem:s21], [sflag:s22], $0xC800, $0x38;
	[tilespmem:$0x19C80] =	vst v63  }
.Ltmp1:
0x34: {  	s21 =	sshrl.u32 @!p1 s24, $0x2;
	_ =	swait.ge @!p1 [sflag:s20], $0xC800;
	(pc) =	sbr.rel @p2 .LBB2_2-.Ltmp1, $4  }
0x35: {  	s22 =	smul.u32 $0x32000, s17;
	s21 =	sadd.s32 @!p1 $0xC80, s21;
	[sflag:s20] =	ssyncset.done @!p1 $0x0  }
0x36: {  	[sflag:s20] =	ssyncadd.s32 @!p1 $0xFFFF3800;
	s20 =	simm.s32 @!p1 $0x190  }
0x37: {  	[tilespmem:s21], [sflag:s25] =	stream.indirect.gather @!p1 [hbm4b:s1+s20], $0x80, s18, s20, $0xb8;
	[tilespmem:$0x19C80] =	vst v63  }
0x38: {  	s19 =	sadd.s32 $0x1900, s19;
	s21 =	sshrl.u32 s22, $0x2;
	s20 =	smov.u32 s23  }
.LBB2_3:
0x39: {  	_ =	swait.ge [sflag:s20], $0xC800  }
0x3a: {  	s16 =	sadd.s32 $0x3, s17;
	[sflag:s20] =	ssyncset.done $0x0  }
0x3b: {  	s31 =	sadd.s32 $0xC80, s21;
	s15 =	sadd.s32 $0x1, s15;
	[sflag:s20] =	ssyncadd.s32 $0xFFFF3800  }
0x3c: {  	[hbm4b:s19+s3] =	stream.linear.scatter [tilespmem:s31], [sflag:s16], $0xC800, $0x38;
	[tilespmem:$0x19C80] =	vst v63  }
0x3d: {  	p1 =	sne.s32 s15, s7;
	_ =	swait.ge [sflag:s13], $0xC800  }
.Ltmp2:
0x3e: {  	[sflag:s13] =	ssyncset.done $0x0;
	(pc) =	sbr.rel @p1 .LBB2_1-.Ltmp2, $4  }
0x3f: {  	[sflag:s13] =	ssyncadd.s32 $0xFFFF3800  }
0x40: {  	_ =	swait.ge [sflag:s14], $0xC800  }
0x41: {  	[sflag:s14] =	ssyncset.done $0x0  }
0x42: {  	[sflag:s14] =	ssyncadd.s32 $0xFFFF3800  }
0x43: {  	_ =	sfence.sel $0x180000  }
0x44: {  	[bflag:$0x0] =	sbarrier.arrive $0xFFFF  }
0x45: {  	p0 =	sne.s32 s2, $0x0;
	_ =	strace $0x90000047  }
0x46: {  	s0 =	sadd.s32 @!p0 $0x100000, s0;
	[bflag:$0x2] =	sbarrier.arrive $0xFFFF  }
0x47: {  	[sflag:s0] =	ssyncadd.tile.s32 @!p0 $0x1;
	_ =	shalt  }
.Lfunc_end2:
_tile_overlayer_lowered:
.L_overlay_start_2:
0x48: {  	(tag) =	ssettag $0x2  }
0x49: {  	s0 =	rddreg [dreg:$0x0];
	s2 =	stileid.u32  }
0x4a: {  	s1 =	rddreg [dreg:$0x1];
	p0 =	sne.s32 s2, $0x0  }
0x4b: {  	s3 =	rddreg [dreg:$0x2];
	[bflag:$0x3] =	sbarrier.arrive $0xFFFF;
	s2 =	simm.s32 @!p0 $0x1C05  }
0x4c: {  	[timem:s3], [sflag:s2] =	dma.local @!p0 [hbm:s0], s1  }
0x4d: {  	s0 =	simm.s32 @!p0 $0x5  }
0x4e: {  	_ =	swait.ge @!p0 [sflag:s0], s1  }
0x4f: {  	s1 =	ssub.s32 @!p0 $0x0, s1;
	[sflag:s0] =	ssyncset.done @!p0 $0x0  }
0x50: {  	[sflag:s0] =	ssyncadd.s32 @!p0 s1  }
0x51: {  	[bflag:$0x3] =	sbarrier.arrive $0xFFFF  }
0x52: {  	_ =	shalt  }

</sc_bundles>
